<compile_context>
chip_gen: v7x
topology: tpu7x:2x2x1
jax: 0.10.2.dev20260603
libtpu: 0.0.44.dev20260713+nightly
codegen_flags: <defaults>
</compile_context>

<pallas_src>
import functools

import jax
import jax.numpy as jnp
from jax import lax
from jax.experimental import pallas as pl
from jax.experimental.pallas import tpu as pltpu
from jax.experimental.pallas import tpu_sc as plsc

_N = 10000
_C = 128
_E = 320000
_O = 40
_GAMMA = 0.1
_EPS = 0.1

_NC = 2
_NS = 16
_NW = _NC * _NS
_EPW = _E // _NW
_K = 125
_PHASES = 2
_PCH = _EPW // (_PHASES * _K)
_RPT = 624
_RTAIL = _N - _NS * _RPT

_mesh = plsc.VectorSubcoreMesh(
    core_axis_name="c", subcore_axis_name="s", num_cores=_NC, num_subcores=_NS
)


@functools.partial(
    pl.kernel,
    out_type=jax.ShapeDtypeStruct((_NC, _N, _C), jnp.float32),
    mesh=_mesh,
    scratch_types=[
        pltpu.VMEM((_PCH, _K), jnp.int32),
        pltpu.VMEM((_PCH, _K), jnp.int32),
        pltpu.VMEM((_K, _C), jnp.float32),
        pltpu.VMEM((_K, _C), jnp.float32),
        pltpu.VMEM_SHARED((_N, _C), jnp.float32),
        pltpu.SemaphoreType.DMA,
    ],
)
def _sc_aggregate(edges_hbm, x_hbm, z_hbm, out_hbm,
                  src_v, dst_v, rows_a, rows_b, acc, sem):
    c = lax.axis_index("c")
    s = lax.axis_index("s")
    wid = c * _NS + s

    pltpu.sync_copy(z_hbm.at[pl.ds(s * _RPT, _RPT)],
                    acc.at[pl.ds(s * _RPT, _RPT)])

    @pl.when(s == _NS - 1)
    def _():
        pltpu.sync_copy(z_hbm.at[pl.ds(_NS * _RPT, _RTAIL)],
                        acc.at[pl.ds(_NS * _RPT, _RTAIL)])
    plsc.subcore_barrier()

    def phase(ph, carry):
        pltpu.sync_copy(edges_hbm.at[0, wid, ph], src_v)
        pltpu.sync_copy(edges_hbm.at[1, wid, ph], dst_v)

        pltpu.async_copy(x_hbm.at[src_v.at[0]], rows_a, sem)

        def pair(p, carry2):
            j = 2 * p
            pltpu.make_async_copy(x_hbm.at[src_v.at[j]], rows_a, sem).wait()
            pltpu.async_copy(x_hbm.at[src_v.at[j + 1]], rows_b, sem)
            pltpu.sync_copy(rows_a, acc.at[dst_v.at[j]], add=True)
            pltpu.make_async_copy(x_hbm.at[src_v.at[j + 1]], rows_b, sem).wait()

            @pl.when(j + 2 < _PCH)
            def _():
                pltpu.async_copy(x_hbm.at[src_v.at[j + 2]], rows_a, sem)

            pltpu.sync_copy(rows_b, acc.at[dst_v.at[j + 1]], add=True)
            return carry2

        lax.fori_loop(0, _PCH // 2, pair, 0)
        return carry

    lax.fori_loop(0, _PHASES, phase, 0)
    plsc.subcore_barrier()

    pltpu.sync_copy(acc.at[pl.ds(s * _RPT, _RPT)],
                    out_hbm.at[c, pl.ds(s * _RPT, _RPT)])

    @pl.when(s == _NS - 1)
    def _():
        pltpu.sync_copy(acc.at[pl.ds(_NS * _RPT, _RTAIL)],
                        out_hbm.at[c, pl.ds(_NS * _RPT, _RTAIL)])


_ROWS_BLK = 1000


def _tc_body(x_ref, p_ref, w1_ref, m_ref, bias_ref, w3_ref, b3_ref, o_ref):
    x = x_ref[...]
    agg = p_ref[0] + p_ref[1]
    h = jnp.tanh(
        jnp.dot(agg, w1_ref[...], preferred_element_type=jnp.float32)
        + jnp.dot(x, m_ref[...], preferred_element_type=jnp.float32)
        + bias_ref[...]
    )
    xn = x + _EPS * h
    o_ref[...] = jax.nn.sigmoid(
        jnp.dot(xn, w3_ref[...], preferred_element_type=jnp.float32)
        + b3_ref[...]
    )


def _tc_dense(x, partials, w1, m, bias, w3, b3):
    grid = (_N // _ROWS_BLK,)
    return pl.pallas_call(
        _tc_body,
        grid=grid,
        in_specs=[
            pl.BlockSpec((_ROWS_BLK, _C), lambda i: (i, 0)),
            pl.BlockSpec((_NC, _ROWS_BLK, _C), lambda i: (0, i, 0)),
            pl.BlockSpec((_C, _C), lambda i: (0, 0)),
            pl.BlockSpec((_C, _C), lambda i: (0, 0)),
            pl.BlockSpec((1, _C), lambda i: (0, 0)),
            pl.BlockSpec((_C, _O), lambda i: (0, 0)),
            pl.BlockSpec((1, _O), lambda i: (0, 0)),
        ],
        out_specs=pl.BlockSpec((_ROWS_BLK, _O), lambda i: (i, 0)),
        out_shape=jax.ShapeDtypeStruct((_N, _O), jnp.float32),
    )(x, partials, w1, m, bias, w3, b3)


def kernel(edge_index, embed, W_rel, b_rel, W_root, W_anti, anti_bias,
           W_lin, b_lin):
    edges = edge_index.astype(jnp.int32).reshape(2, _NW, _PHASES, _PCH, _K)
    zeros = jnp.zeros((_N, _C), jnp.float32)
    partials = _sc_aggregate(edges, embed, zeros)

    m = W_anti.T - W_anti - _GAMMA * jnp.eye(_C, dtype=jnp.float32) + W_root.T
    bias = (b_rel + anti_bias).reshape(1, _C)
    return _tc_dense(embed, partials, W_rel.T, m, bias, W_lin.T,
                     b_lin.reshape(1, _O))

# --- scband reference (transcript-rebuilt; emitter-appended) ---
"""Pipeline reference for scband-anti-symmetric-15444702396724 (READ-ONLY COPY).

The authoritative reference and input builder live on the scoring server;
editing this copy changes nothing except your own understanding.
"""

import jax, jax.numpy as jnp
import numpy as np

N = 10000
C = 128
E = 320000
NUM_CLASSES = 40
GAMMA = 0.1
EPSILON = 0.1


def setup_inputs(seed: int = 0) -> dict:
    key = jax.random.key(seed)
    ks = jax.random.split(key, 9)
    edge_index = jax.random.randint(ks[0], (2, E), 0, N, dtype=jnp.int64)
    # learned parameters
    embed = jax.random.normal(ks[1], (N, C), dtype=jnp.float32) * 0.02
    # GraphConv phi: lin_rel (with bias), lin_root (no bias)
    W_rel = jax.random.normal(ks[2], (C, C), dtype=jnp.float32) * (1.0 / np.sqrt(C))
    b_rel = jnp.zeros((C,), dtype=jnp.float32)
    W_root = jax.random.normal(ks[3], (C, C), dtype=jnp.float32) * (1.0 / np.sqrt(C))
    # AntiSymmetricConv params
    W_anti = jax.random.normal(ks[4], (C, C), dtype=jnp.float32) * (1.0 / np.sqrt(C))
    anti_bias = jnp.zeros((C,), dtype=jnp.float32)
    # final linear
    W_lin = jax.random.normal(ks[5], (NUM_CLASSES, C), dtype=jnp.float32) * (1.0 / np.sqrt(C))
    b_lin = jnp.zeros((NUM_CLASSES,), dtype=jnp.float32)
    return {
        "edge_index": edge_index,
        "embed": embed,
        "W_rel": W_rel,
        "b_rel": b_rel,
        "W_root": W_root,
        "W_anti": W_anti,
        "anti_bias": anti_bias,
        "W_lin": W_lin,
        "b_lin": b_lin,
    }


def reference(edge_index, embed, W_rel, b_rel, W_root, W_anti, anti_bias, W_lin, b_lin):
    x = embed  # x = self.embed.weight
    # AntiSymmetricConv (num_iters=1, act=tanh default, epsilon=0.1, gamma=0.1)
    aW = W_anti - W_anti.T - GAMMA * jnp.eye(C, dtype=W_anti.dtype)
    src = edge_index[0]
    dst = edge_index[1]
    # phi = GraphConv: sum-aggregate source features at dst, then lin_rel + lin_root
    agg = jax.ops.segment_sum(x[src], dst, num_segments=N)
    h = agg @ W_rel.T + b_rel + x @ W_root.T
    # antisymmetric update
    h = x @ aW.T + h + anti_bias
    h = jnp.tanh(h)
    x = x + EPSILON * h
    # F.dropout treated as identity (inference behavior / deterministic reference)
    out = x @ W_lin.T + b_lin
    return jax.nn.sigmoid(out)

if __name__ == "__main__":
    import jax
    _d = setup_inputs()
    print(jax.jit(kernel)(*tuple(_d.values())))

</pallas_src>

<mosaic_0001>
#map = affine_map<(d0, d1) -> (0, 0, 0, 0, 0)>
#map1 = affine_map<(d0, d1) -> (0, 0)>
#map2 = affine_map<(d0, d1) -> (0, 0, 0)>
module attributes {stable_mosaic.version = 14 : i64} {
  func.func @_sc_aggregate(%arg0: i32, %arg1: i32, %arg2: memref<2x32x2x40x125xi32, #tpu.memory_space<hbm>>, %arg3: memref<10000x128xf32, #tpu.memory_space<hbm>>, %arg4: memref<10000x128xf32, #tpu.memory_space<hbm>>, %arg5: memref<2x10000x128xf32, #tpu.memory_space<hbm>>, %arg6: memref<40x125xi32, #tpu.memory_space<vmem>>, %arg7: memref<40x125xi32, #tpu.memory_space<vmem>>, %arg8: memref<125x128xf32, #tpu.memory_space<vmem>>, %arg9: memref<125x128xf32, #tpu.memory_space<vmem>>, %arg10: memref<10000x128xf32, #tpu.memory_space<vmem_shared>>, %arg11: memref<!tpu.dma_semaphore, #tpu.memory_space<semaphore_mem>>) attributes {dimension_semantics = [#tpu.dimension_semantics<core_parallel>, #tpu.dimension_semantics<subcore_parallel>], iteration_bounds = array<i64: 2, 16>, scalar_prefetch = 0 : i64, scratch_operands = 6 : i64, tpu.core_type = #tpu.core_type<sc_vector_subcore>, window_params = [{transform_indices = #map}, {transform_indices = #map1}, {transform_indices = #map1}, {transform_indices = #map2}]} {
    %mul3A = arith.constant 16 : i32
    %mul3A_0 = arith.muli %arg0, %mul3A : i32
    %add3A = arith.addi %mul3A_0, %arg1 : i32
    %mul3A_1 = arith.constant 624 : i32
    %mul3A_2 = arith.muli %arg1, %mul3A_1 : i32
    %mul3A_3 = arith.constant 624 : i32
    %mul3A_4 = arith.muli %arg1, %mul3A_3 : i32
    "tpu.region"() ({
      %run_scoped3A = tpu.sem_alloc : memref<!tpu.dma_semaphore, #tpu.memory_space<semaphore_mem>>
      %dma_start3A = arith.constant 0 : i32
      %dma_start3A_22 = tpu.memref_slice %arg10[%mul3A_4, %dma_start3A] : memref<10000x128xf32, #tpu.memory_space<vmem_shared>> -> memref<624x128xf32, #tpu.memory_space<vmem_shared>>
      %dma_start3A_23 = arith.constant 0 : i32
      %dma_start3A_24 = tpu.memref_slice %arg4[%mul3A_2, %dma_start3A_23] : memref<10000x128xf32, #tpu.memory_space<hbm>> -> memref<624x128xf32, #tpu.memory_space<hbm>>
      tpu.enqueue_dma source(%dma_start3A_24 : memref<624x128xf32, #tpu.memory_space<hbm>>) target(%dma_start3A_22 : memref<624x128xf32, #tpu.memory_space<vmem_shared>>) target_semaphore(%run_scoped3A : memref<!tpu.dma_semaphore, #tpu.memory_space<semaphore_mem>>)
      %dma_wait3A = arith.constant 0 : i32
      %dma_wait3A_25 = tpu.memref_slice %arg10[%mul3A_4, %dma_wait3A] : memref<10000x128xf32, #tpu.memory_space<vmem_shared>> -> memref<624x128xf32, #tpu.memory_space<vmem_shared>>
      %dma_wait3A_26 = arith.constant 0 : i32
      %dma_wait3A_27 = tpu.memref_slice %arg4[%mul3A_2, %dma_wait3A_26] : memref<10000x128xf32, #tpu.memory_space<hbm>> -> memref<624x128xf32, #tpu.memory_space<hbm>>
      tpu.wait_dma2 semaphore(%run_scoped3A : memref<!tpu.dma_semaphore, #tpu.memory_space<semaphore_mem>>) src(%dma_wait3A_27 : memref<624x128xf32, #tpu.memory_space<hbm>>) dst(%dma_wait3A_25 : memref<624x128xf32, #tpu.memory_space<vmem_shared>>)
      tpu.yield
    }) : () -> ()
    %eq3A = arith.constant 15 : i32
    %eq3A_5 = arith.cmpi eq, %arg1, %eq3A : i32
    %convert_element_type3A = arith.extui %eq3A_5 : i1 to i32
    %cond3A = arith.constant 0 : i32
    %cond3A_6 = arith.cmpi ne, %convert_element_type3A, %cond3A : i32
    scf.if %cond3A_6 {
      "tpu.region"() ({
        %run_scoped3A = tpu.sem_alloc : memref<!tpu.dma_semaphore, #tpu.memory_space<semaphore_mem>>
        %dma_start3A = arith.constant 9984 : i32
        %dma_start3A_22 = arith.constant 0 : i32
        %dma_start3A_23 = tpu.memref_slice %arg10[%dma_start3A, %dma_start3A_22] : memref<10000x128xf32, #tpu.memory_space<vmem_shared>> -> memref<16x128xf32, #tpu.memory_space<vmem_shared>>
        %dma_start3A_24 = arith.constant 9984 : i32
        %dma_start3A_25 = arith.constant 0 : i32
        %dma_start3A_26 = tpu.memref_slice %arg4[%dma_start3A_24, %dma_start3A_25] : memref<10000x128xf32, #tpu.memory_space<hbm>> -> memref<16x128xf32, #tpu.memory_space<hbm>>
        tpu.enqueue_dma source(%dma_start3A_26 : memref<16x128xf32, #tpu.memory_space<hbm>>) target(%dma_start3A_23 : memref<16x128xf32, #tpu.memory_space<vmem_shared>>) target_semaphore(%run_scoped3A : memref<!tpu.dma_semaphore, #tpu.memory_space<semaphore_mem>>)
        %dma_wait3A = arith.constant 9984 : i32
        %dma_wait3A_27 = arith.constant 0 : i32
        %dma_wait3A_28 = tpu.memref_slice %arg10[%dma_wait3A, %dma_wait3A_27] : memref<10000x128xf32, #tpu.memory_space<vmem_shared>> -> memref<16x128xf32, #tpu.memory_space<vmem_shared>>
        %dma_wait3A_29 = arith.constant 9984 : i32
        %dma_wait3A_30 = arith.constant 0 : i32
        %dma_wait3A_31 = tpu.memref_slice %arg4[%dma_wait3A_29, %dma_wait3A_30] : memref<10000x128xf32, #tpu.memory_space<hbm>> -> memref<16x128xf32, #tpu.memory_space<hbm>>
        tpu.wait_dma2 semaphore(%run_scoped3A : memref<!tpu.dma_semaphore, #tpu.memory_space<semaphore_mem>>) src(%dma_wait3A_31 : memref<16x128xf32, #tpu.memory_space<hbm>>) dst(%dma_wait3A_28 : memref<16x128xf32, #tpu.memory_space<vmem_shared>>)
        tpu.yield
      }) : () -> ()
    } else {
    }
    %barrier3A = arith.constant 0 : index
    tpu.barrier barrier_id(%barrier3A)
    %scan3A = arith.constant 0 : i32
    %scan3A_7 = arith.constant 0 : i32
    %scan3A_8 = arith.constant 2 : i32
    %scan3A_9 = arith.addi %scan3A_7, %scan3A_8 : i32
    %scan3A_10 = arith.constant 1 : i32
    scf.for %scan3A_22 = %scan3A_7 to %scan3A_9 step %scan3A_10  : i32 {
      %run_scoped3A = arith.constant 0 : i32
      "tpu.region"() ({
        %run_scoped3A_36 = tpu.sem_alloc : memref<!tpu.dma_semaphore, #tpu.memory_space<semaphore_mem>>
        %dma_start3A_37 = arith.constant 0 : i32
        %dma_start3A_38 = arith.constant 0 : i32
        %dma_start3A_39 = tpu.memref_slice %arg2[%run_scoped3A, %add3A, %scan3A_22, %dma_start3A_37, %dma_start3A_38] : memref<2x32x2x40x125xi32, #tpu.memory_space<hbm>> -> memref<1x1x1x40x125xi32, #tpu.memory_space<hbm>>
        %dma_start3A_40 = tpu.memref_squeeze %dma_start3A_39 : memref<1x1x1x40x125xi32, #tpu.memory_space<hbm>> -> memref<40x125xi32, #tpu.memory_space<hbm>>
        %dma_start3A_41 = arith.constant 0 : i32
        %dma_start3A_42 = arith.constant 0 : i32
        %dma_start3A_43 = tpu.memref_slice %arg2[%run_scoped3A, %add3A, %scan3A_22, %dma_start3A_41, %dma_start3A_42] : memref<2x32x2x40x125xi32, #tpu.memory_space<hbm>> -> memref<1x1x1x40x125xi32, #tpu.memory_space<hbm>>
        %dma_start3A_44 = tpu.memref_squeeze %dma_start3A_43 : memref<1x1x1x40x125xi32, #tpu.memory_space<hbm>> -> memref<40x125xi32, #tpu.memory_space<hbm>>
        tpu.enqueue_dma source(%dma_start3A_44 : memref<40x125xi32, #tpu.memory_space<hbm>>) target(%arg6 : memref<40x125xi32, #tpu.memory_space<vmem>>) target_semaphore(%run_scoped3A_36 : memref<!tpu.dma_semaphore, #tpu.memory_space<semaphore_mem>>)
        %dma_wait3A = arith.constant 0 : i32
        %dma_wait3A_45 = arith.constant 0 : i32
        %dma_wait3A_46 = tpu.memref_slice %arg2[%run_scoped3A, %add3A, %scan3A_22, %dma_wait3A, %dma_wait3A_45] : memref<2x32x2x40x125xi32, #tpu.memory_space<hbm>> -> memref<1x1x1x40x125xi32, #tpu.memory_space<hbm>>
        %dma_wait3A_47 = tpu.memref_squeeze %dma_wait3A_46 : memref<1x1x1x40x125xi32, #tpu.memory_space<hbm>> -> memref<40x125xi32, #tpu.memory_space<hbm>>
        %dma_wait3A_48 = arith.constant 0 : i32
        %dma_wait3A_49 = arith.constant 0 : i32
        %dma_wait3A_50 = tpu.memref_slice %arg2[%run_scoped3A, %add3A, %scan3A_22, %dma_wait3A_48, %dma_wait3A_49] : memref<2x32x2x40x125xi32, #tpu.memory_space<hbm>> -> memref<1x1x1x40x125xi32, #tpu.memory_space<hbm>>
        %dma_wait3A_51 = tpu.memref_squeeze %dma_wait3A_50 : memref<1x1x1x40x125xi32, #tpu.memory_space<hbm>> -> memref<40x125xi32, #tpu.memory_space<hbm>>
        tpu.wait_dma2 semaphore(%run_scoped3A_36 : memref<!tpu.dma_semaphore, #tpu.memory_space<semaphore_mem>>) src(%dma_wait3A_51 : memref<40x125xi32, #tpu.memory_space<hbm>>) dst(%arg6 : memref<40x125xi32, #tpu.memory_space<vmem>>)
        tpu.yield
      }) : () -> ()
      %run_scoped3A_23 = arith.constant 1 : i32
      "tpu.region"() ({
        %run_scoped3A_36 = tpu.sem_alloc : memref<!tpu.dma_semaphore, #tpu.memory_space<semaphore_mem>>
        %dma_start3A_37 = arith.constant 0 : i32
        %dma_start3A_38 = arith.constant 0 : i32
        %dma_start3A_39 = tpu.memref_slice %arg2[%run_scoped3A_23, %add3A, %scan3A_22, %dma_start3A_37, %dma_start3A_38] : memref<2x32x2x40x125xi32, #tpu.memory_space<hbm>> -> memref<1x1x1x40x125xi32, #tpu.memory_space<hbm>>
        %dma_start3A_40 = tpu.memref_squeeze %dma_start3A_39 : memref<1x1x1x40x125xi32, #tpu.memory_space<hbm>> -> memref<40x125xi32, #tpu.memory_space<hbm>>
        %dma_start3A_41 = arith.constant 0 : i32
        %dma_start3A_42 = arith.constant 0 : i32
        %dma_start3A_43 = tpu.memref_slice %arg2[%run_scoped3A_23, %add3A, %scan3A_22, %dma_start3A_41, %dma_start3A_42] : memref<2x32x2x40x125xi32, #tpu.memory_space<hbm>> -> memref<1x1x1x40x125xi32, #tpu.memory_space<hbm>>
        %dma_start3A_44 = tpu.memref_squeeze %dma_start3A_43 : memref<1x1x1x40x125xi32, #tpu.memory_space<hbm>> -> memref<40x125xi32, #tpu.memory_space<hbm>>
        tpu.enqueue_dma source(%dma_start3A_44 : memref<40x125xi32, #tpu.memory_space<hbm>>) target(%arg7 : memref<40x125xi32, #tpu.memory_space<vmem>>) target_semaphore(%run_scoped3A_36 : memref<!tpu.dma_semaphore, #tpu.memory_space<semaphore_mem>>)
        %dma_wait3A = arith.constant 0 : i32
        %dma_wait3A_45 = arith.constant 0 : i32
        %dma_wait3A_46 = tpu.memref_slice %arg2[%run_scoped3A_23, %add3A, %scan3A_22, %dma_wait3A, %dma_wait3A_45] : memref<2x32x2x40x125xi32, #tpu.memory_space<hbm>> -> memref<1x1x1x40x125xi32, #tpu.memory_space<hbm>>
        %dma_wait3A_47 = tpu.memref_squeeze %dma_wait3A_46 : memref<1x1x1x40x125xi32, #tpu.memory_space<hbm>> -> memref<40x125xi32, #tpu.memory_space<hbm>>
        %dma_wait3A_48 = arith.constant 0 : i32
        %dma_wait3A_49 = arith.constant 0 : i32
        %dma_wait3A_50 = tpu.memref_slice %arg2[%run_scoped3A_23, %add3A, %scan3A_22, %dma_wait3A_48, %dma_wait3A_49] : memref<2x32x2x40x125xi32, #tpu.memory_space<hbm>> -> memref<1x1x1x40x125xi32, #tpu.memory_space<hbm>>
        %dma_wait3A_51 = tpu.memref_squeeze %dma_wait3A_50 : memref<1x1x1x40x125xi32, #tpu.memory_space<hbm>> -> memref<40x125xi32, #tpu.memory_space<hbm>>
        tpu.wait_dma2 semaphore(%run_scoped3A_36 : memref<!tpu.dma_semaphore, #tpu.memory_space<semaphore_mem>>) src(%dma_wait3A_51 : memref<40x125xi32, #tpu.memory_space<hbm>>) dst(%arg7 : memref<40x125xi32, #tpu.memory_space<vmem>>)
        tpu.yield
      }) : () -> ()
      %dma_start3A = arith.constant 0 : i32
      %dma_start3A_24 = arith.constant 0 : i32
      %dma_start3A_25 = tpu.memref_slice %arg6[%dma_start3A, %dma_start3A_24] : memref<40x125xi32, #tpu.memory_space<vmem>> -> memref<1x125xi32, #tpu.memory_space<vmem>>
      %dma_start3A_26 = tpu.memref_squeeze %dma_start3A_25 : memref<1x125xi32, #tpu.memory_space<vmem>> -> memref<125xi32, #tpu.memory_space<vmem>>
      %dma_start3A_27 = arith.constant 0 : i32
      %dma_start3A_28 = arith.constant 0 : i32
      %dma_start3A_29 = tpu.memref_slice %arg3[%dma_start3A_27, %dma_start3A_28] : memref<10000x128xf32, #tpu.memory_space<hbm>> -> memref<10000x128xf32, #tpu.memory_space<hbm>>
      tpu.enqueue_indirect_dma source(%dma_start3A_29 : memref<10000x128xf32, #tpu.memory_space<hbm>>) target(%arg8 : memref<125x128xf32, #tpu.memory_space<vmem>>) offsets(%dma_start3A_26 : memref<125xi32, #tpu.memory_space<vmem>>) semaphore(%arg11 : memref<!tpu.dma_semaphore, #tpu.memory_space<semaphore_mem>>)
      %scan3A_30 = arith.constant 0 : i32
      %scan3A_31 = arith.constant 0 : i32
      %scan3A_32 = arith.constant 20 : i32
      %scan3A_33 = arith.addi %scan3A_31, %scan3A_32 : i32
      %scan3A_34 = arith.constant 1 : i32
      scf.for %scan3A_36 = %scan3A_31 to %scan3A_33 step %scan3A_34  : i32 {
        %mul3A_37 = arith.constant 2 : i32
        %mul3A_38 = arith.muli %mul3A_37, %scan3A_36 : i32
        %dma_wait3A = arith.constant 0 : i32
        %dma_wait3A_39 = tpu.memref_slice %arg6[%mul3A_38, %dma_wait3A] : memref<40x125xi32, #tpu.memory_space<vmem>> -> memref<1x125xi32, #tpu.memory_space<vmem>>
        %dma_wait3A_40 = tpu.memref_squeeze %dma_wait3A_39 : memref<1x125xi32, #tpu.memory_space<vmem>> -> memref<125xi32, #tpu.memory_space<vmem>>
        %dma_wait3A_41 = arith.constant 0 : i32
        %dma_wait3A_42 = arith.constant 0 : i32
        %dma_wait3A_43 = tpu.memref_slice %arg3[%dma_wait3A_41, %dma_wait3A_42] : memref<10000x128xf32, #tpu.memory_space<hbm>> -> memref<10000x128xf32, #tpu.memory_space<hbm>>
        tpu.wait_indirect_dma semaphore(%arg11 : memref<!tpu.dma_semaphore, #tpu.memory_space<semaphore_mem>>) src(%dma_wait3A_43 : memref<10000x128xf32, #tpu.memory_space<hbm>>) dst(%arg8 : memref<125x128xf32, #tpu.memory_space<vmem>>)
        %add3A_44 = arith.constant 1 : i32
        %add3A_45 = arith.addi %mul3A_38, %add3A_44 : i32
        %dma_start3A_46 = arith.constant 0 : i32
        %dma_start3A_47 = tpu.memref_slice %arg6[%add3A_45, %dma_start3A_46] : memref<40x125xi32, #tpu.memory_space<vmem>> -> memref<1x125xi32, #tpu.memory_space<vmem>>
        %dma_start3A_48 = tpu.memref_squeeze %dma_start3A_47 : memref<1x125xi32, #tpu.memory_space<vmem>> -> memref<125xi32, #tpu.memory_space<vmem>>
        %dma_start3A_49 = arith.constant 0 : i32
        %dma_start3A_50 = arith.constant 0 : i32
        %dma_start3A_51 = tpu.memref_slice %arg3[%dma_start3A_49, %dma_start3A_50] : memref<10000x128xf32, #tpu.memory_space<hbm>> -> memref<10000x128xf32, #tpu.memory_space<hbm>>
        tpu.enqueue_indirect_dma source(%dma_start3A_51 : memref<10000x128xf32, #tpu.memory_space<hbm>>) target(%arg9 : memref<125x128xf32, #tpu.memory_space<vmem>>) offsets(%dma_start3A_48 : memref<125xi32, #tpu.memory_space<vmem>>) semaphore(%arg11 : memref<!tpu.dma_semaphore, #tpu.memory_space<semaphore_mem>>)
        "tpu.region"() ({
          %run_scoped3A_68 = tpu.sem_alloc : memref<!tpu.dma_semaphore, #tpu.memory_space<semaphore_mem>>
          %dma_start3A_69 = arith.constant 0 : i32
          %dma_start3A_70 = tpu.memref_slice %arg7[%mul3A_38, %dma_start3A_69] : memref<40x125xi32, #tpu.memory_space<vmem>> -> memref<1x125xi32, #tpu.memory_space<vmem>>
          %dma_start3A_71 = tpu.memref_squeeze %dma_start3A_70 : memref<1x125xi32, #tpu.memory_space<vmem>> -> memref<125xi32, #tpu.memory_space<vmem>>
          %dma_start3A_72 = arith.constant 0 : i32
          %dma_start3A_73 = arith.constant 0 : i32
          %dma_start3A_74 = tpu.memref_slice %arg10[%dma_start3A_72, %dma_start3A_73] : memref<10000x128xf32, #tpu.memory_space<vmem_shared>> -> memref<10000x128xf32, #tpu.memory_space<vmem_shared>>
          tpu.enqueue_indirect_dma source(%arg8 : memref<125x128xf32, #tpu.memory_space<vmem>>) target(%dma_start3A_74 : memref<10000x128xf32, #tpu.memory_space<vmem_shared>>) offsets(%dma_start3A_71 : memref<125xi32, #tpu.memory_space<vmem>>) semaphore(%run_scoped3A_68 : memref<!tpu.dma_semaphore, #tpu.memory_space<semaphore_mem>>) {add = true}
          %dma_wait3A_75 = arith.constant 0 : i32
          %dma_wait3A_76 = tpu.memref_slice %arg7[%mul3A_38, %dma_wait3A_75] : memref<40x125xi32, #tpu.memory_space<vmem>> -> memref<1x125xi32, #tpu.memory_space<vmem>>
          %dma_wait3A_77 = tpu.memref_squeeze %dma_wait3A_76 : memref<1x125xi32, #tpu.memory_space<vmem>> -> memref<125xi32, #tpu.memory_space<vmem>>
          %dma_wait3A_78 = arith.constant 0 : i32
          %dma_wait3A_79 = arith.constant 0 : i32
          %dma_wait3A_80 = tpu.memref_slice %arg10[%dma_wait3A_78, %dma_wait3A_79] : memref<10000x128xf32, #tpu.memory_space<vmem_shared>> -> memref<10000x128xf32, #tpu.memory_space<vmem_shared>>
          tpu.wait_indirect_dma semaphore(%run_scoped3A_68 : memref<!tpu.dma_semaphore, #tpu.memory_space<semaphore_mem>>) src(%arg8 : memref<125x128xf32, #tpu.memory_space<vmem>>) dst(%dma_wait3A_80 : memref<10000x128xf32, #tpu.memory_space<vmem_shared>>)
          tpu.yield
        }) : () -> ()
        %add3A_52 = arith.constant 1 : i32
        %add3A_53 = arith.addi %mul3A_38, %add3A_52 : i32
        %dma_wait3A_54 = arith.constant 0 : i32
        %dma_wait3A_55 = tpu.memref_slice %arg6[%add3A_53, %dma_wait3A_54] : memref<40x125xi32, #tpu.memory_space<vmem>> -> memref<1x125xi32, #tpu.memory_space<vmem>>
        %dma_wait3A_56 = tpu.memref_squeeze %dma_wait3A_55 : memref<1x125xi32, #tpu.memory_space<vmem>> -> memref<125xi32, #tpu.memory_space<vmem>>
        %dma_wait3A_57 = arith.constant 0 : i32
        %dma_wait3A_58 = arith.constant 0 : i32
        %dma_wait3A_59 = tpu.memref_slice %arg3[%dma_wait3A_57, %dma_wait3A_58] : memref<10000x128xf32, #tpu.memory_space<hbm>> -> memref<10000x128xf32, #tpu.memory_space<hbm>>
        tpu.wait_indirect_dma semaphore(%arg11 : memref<!tpu.dma_semaphore, #tpu.memory_space<semaphore_mem>>) src(%dma_wait3A_59 : memref<10000x128xf32, #tpu.memory_space<hbm>>) dst(%arg9 : memref<125x128xf32, #tpu.memory_space<vmem>>)
        %add3A_60 = arith.constant 2 : i32
        %add3A_61 = arith.addi %mul3A_38, %add3A_60 : i32
        %lt3A = arith.constant 40 : i32
        %lt3A_62 = arith.cmpi slt, %add3A_61, %lt3A : i32
        %convert_element_type3A_63 = arith.extui %lt3A_62 : i1 to i32
        %cond3A_64 = arith.constant 0 : i32
        %cond3A_65 = arith.cmpi ne, %convert_element_type3A_63, %cond3A_64 : i32
        scf.if %cond3A_65 {
          %add3A_68 = arith.constant 2 : i32
          %add3A_69 = arith.addi %mul3A_38, %add3A_68 : i32
          %dma_start3A_70 = arith.constant 0 : i32
          %dma_start3A_71 = tpu.memref_slice %arg6[%add3A_69, %dma_start3A_70] : memref<40x125xi32, #tpu.memory_space<vmem>> -> memref<1x125xi32, #tpu.memory_space<vmem>>
          %dma_start3A_72 = tpu.memref_squeeze %dma_start3A_71 : memref<1x125xi32, #tpu.memory_space<vmem>> -> memref<125xi32, #tpu.memory_space<vmem>>
          %dma_start3A_73 = arith.constant 0 : i32
          %dma_start3A_74 = arith.constant 0 : i32
          %dma_start3A_75 = tpu.memref_slice %arg3[%dma_start3A_73, %dma_start3A_74] : memref<10000x128xf32, #tpu.memory_space<hbm>> -> memref<10000x128xf32, #tpu.memory_space<hbm>>
          tpu.enqueue_indirect_dma source(%dma_start3A_75 : memref<10000x128xf32, #tpu.memory_space<hbm>>) target(%arg8 : memref<125x128xf32, #tpu.memory_space<vmem>>) offsets(%dma_start3A_72 : memref<125xi32, #tpu.memory_space<vmem>>) semaphore(%arg11 : memref<!tpu.dma_semaphore, #tpu.memory_space<semaphore_mem>>)
        } else {
        }
        %add3A_66 = arith.constant 1 : i32
        %add3A_67 = arith.addi %mul3A_38, %add3A_66 : i32
        "tpu.region"() ({
          %run_scoped3A_68 = tpu.sem_alloc : memref<!tpu.dma_semaphore, #tpu.memory_space<semaphore_mem>>
          %dma_start3A_69 = arith.constant 0 : i32
          %dma_start3A_70 = tpu.memref_slice %arg7[%add3A_67, %dma_start3A_69] : memref<40x125xi32, #tpu.memory_space<vmem>> -> memref<1x125xi32, #tpu.memory_space<vmem>>
          %dma_start3A_71 = tpu.memref_squeeze %dma_start3A_70 : memref<1x125xi32, #tpu.memory_space<vmem>> -> memref<125xi32, #tpu.memory_space<vmem>>
          %dma_start3A_72 = arith.constant 0 : i32
          %dma_start3A_73 = arith.constant 0 : i32
          %dma_start3A_74 = tpu.memref_slice %arg10[%dma_start3A_72, %dma_start3A_73] : memref<10000x128xf32, #tpu.memory_space<vmem_shared>> -> memref<10000x128xf32, #tpu.memory_space<vmem_shared>>
          tpu.enqueue_indirect_dma source(%arg9 : memref<125x128xf32, #tpu.memory_space<vmem>>) target(%dma_start3A_74 : memref<10000x128xf32, #tpu.memory_space<vmem_shared>>) offsets(%dma_start3A_71 : memref<125xi32, #tpu.memory_space<vmem>>) semaphore(%run_scoped3A_68 : memref<!tpu.dma_semaphore, #tpu.memory_space<semaphore_mem>>) {add = true}
          %dma_wait3A_75 = arith.constant 0 : i32
          %dma_wait3A_76 = tpu.memref_slice %arg7[%add3A_67, %dma_wait3A_75] : memref<40x125xi32, #tpu.memory_space<vmem>> -> memref<1x125xi32, #tpu.memory_space<vmem>>
          %dma_wait3A_77 = tpu.memref_squeeze %dma_wait3A_76 : memref<1x125xi32, #tpu.memory_space<vmem>> -> memref<125xi32, #tpu.memory_space<vmem>>
          %dma_wait3A_78 = arith.constant 0 : i32
          %dma_wait3A_79 = arith.constant 0 : i32
          %dma_wait3A_80 = tpu.memref_slice %arg10[%dma_wait3A_78, %dma_wait3A_79] : memref<10000x128xf32, #tpu.memory_space<vmem_shared>> -> memref<10000x128xf32, #tpu.memory_space<vmem_shared>>
          tpu.wait_indirect_dma semaphore(%run_scoped3A_68 : memref<!tpu.dma_semaphore, #tpu.memory_space<semaphore_mem>>) src(%arg9 : memref<125x128xf32, #tpu.memory_space<vmem>>) dst(%dma_wait3A_80 : memref<10000x128xf32, #tpu.memory_space<vmem_shared>>)
          tpu.yield
        }) : () -> ()
      }
      %scan3A_35 = arith.constant 20 : i32
    }
    %scan3A_11 = arith.constant 2 : i32
    %barrier3A_12 = arith.constant 0 : index
    tpu.barrier barrier_id(%barrier3A_12)
    %mul3A_13 = arith.constant 624 : i32
    %mul3A_14 = arith.muli %arg1, %mul3A_13 : i32
    %mul3A_15 = arith.constant 624 : i32
    %mul3A_16 = arith.muli %arg1, %mul3A_15 : i32
    "tpu.region"() ({
      %run_scoped3A = tpu.sem_alloc : memref<!tpu.dma_semaphore, #tpu.memory_space<semaphore_mem>>
      %dma_start3A = arith.constant 0 : i32
      %dma_start3A_22 = tpu.memref_slice %arg5[%arg0, %mul3A_16, %dma_start3A] : memref<2x10000x128xf32, #tpu.memory_space<hbm>> -> memref<1x624x128xf32, #tpu.memory_space<hbm>>
      %dma_start3A_23 = tpu.memref_squeeze %dma_start3A_22 : memref<1x624x128xf32, #tpu.memory_space<hbm>> -> memref<624x128xf32, #tpu.memory_space<hbm>>
      %dma_start3A_24 = arith.constant 0 : i32
      %dma_start3A_25 = tpu.memref_slice %arg10[%mul3A_14, %dma_start3A_24] : memref<10000x128xf32, #tpu.memory_space<vmem_shared>> -> memref<624x128xf32, #tpu.memory_space<vmem_shared>>
      tpu.enqueue_dma source(%dma_start3A_25 : memref<624x128xf32, #tpu.memory_space<vmem_shared>>) target(%dma_start3A_23 : memref<624x128xf32, #tpu.memory_space<hbm>>) target_semaphore(%run_scoped3A : memref<!tpu.dma_semaphore, #tpu.memory_space<semaphore_mem>>)
      %dma_wait3A = arith.constant 0 : i32
      %dma_wait3A_26 = tpu.memref_slice %arg5[%arg0, %mul3A_16, %dma_wait3A] : memref<2x10000x128xf32, #tpu.memory_space<hbm>> -> memref<1x624x128xf32, #tpu.memory_space<hbm>>
      %dma_wait3A_27 = tpu.memref_squeeze %dma_wait3A_26 : memref<1x624x128xf32, #tpu.memory_space<hbm>> -> memref<624x128xf32, #tpu.memory_space<hbm>>
      %dma_wait3A_28 = arith.constant 0 : i32
      %dma_wait3A_29 = tpu.memref_slice %arg10[%mul3A_14, %dma_wait3A_28] : memref<10000x128xf32, #tpu.memory_space<vmem_shared>> -> memref<624x128xf32, #tpu.memory_space<vmem_shared>>
      tpu.wait_dma2 semaphore(%run_scoped3A : memref<!tpu.dma_semaphore, #tpu.memory_space<semaphore_mem>>) src(%dma_wait3A_29 : memref<624x128xf32, #tpu.memory_space<vmem_shared>>) dst(%dma_wait3A_27 : memref<624x128xf32, #tpu.memory_space<hbm>>)
      tpu.yield
    }) : () -> ()
    %eq3A_17 = arith.constant 15 : i32
    %eq3A_18 = arith.cmpi eq, %arg1, %eq3A_17 : i32
    %convert_element_type3A_19 = arith.extui %eq3A_18 : i1 to i32
    %cond3A_20 = arith.constant 0 : i32
    %cond3A_21 = arith.cmpi ne, %convert_element_type3A_19, %cond3A_20 : i32
    scf.if %cond3A_21 {
      "tpu.region"() ({
        %run_scoped3A = tpu.sem_alloc : memref<!tpu.dma_semaphore, #tpu.memory_space<semaphore_mem>>
        %dma_start3A = arith.constant 9984 : i32
        %dma_start3A_22 = arith.constant 0 : i32
        %dma_start3A_23 = tpu.memref_slice %arg5[%arg0, %dma_start3A, %dma_start3A_22] : memref<2x10000x128xf32, #tpu.memory_space<hbm>> -> memref<1x16x128xf32, #tpu.memory_space<hbm>>
        %dma_start3A_24 = tpu.memref_squeeze %dma_start3A_23 : memref<1x16x128xf32, #tpu.memory_space<hbm>> -> memref<16x128xf32, #tpu.memory_space<hbm>>
        %dma_start3A_25 = arith.constant 9984 : i32
        %dma_start3A_26 = arith.constant 0 : i32
        %dma_start3A_27 = tpu.memref_slice %arg10[%dma_start3A_25, %dma_start3A_26] : memref<10000x128xf32, #tpu.memory_space<vmem_shared>> -> memref<16x128xf32, #tpu.memory_space<vmem_shared>>
        tpu.enqueue_dma source(%dma_start3A_27 : memref<16x128xf32, #tpu.memory_space<vmem_shared>>) target(%dma_start3A_24 : memref<16x128xf32, #tpu.memory_space<hbm>>) target_semaphore(%run_scoped3A : memref<!tpu.dma_semaphore, #tpu.memory_space<semaphore_mem>>)
        %dma_wait3A = arith.constant 9984 : i32
        %dma_wait3A_28 = arith.constant 0 : i32
        %dma_wait3A_29 = tpu.memref_slice %arg5[%arg0, %dma_wait3A, %dma_wait3A_28] : memref<2x10000x128xf32, #tpu.memory_space<hbm>> -> memref<1x16x128xf32, #tpu.memory_space<hbm>>
        %dma_wait3A_30 = tpu.memref_squeeze %dma_wait3A_29 : memref<1x16x128xf32, #tpu.memory_space<hbm>> -> memref<16x128xf32, #tpu.memory_space<hbm>>
        %dma_wait3A_31 = arith.constant 9984 : i32
        %dma_wait3A_32 = arith.constant 0 : i32
        %dma_wait3A_33 = tpu.memref_slice %arg10[%dma_wait3A_31, %dma_wait3A_32] : memref<10000x128xf32, #tpu.memory_space<vmem_shared>> -> memref<16x128xf32, #tpu.memory_space<vmem_shared>>
        tpu.wait_dma2 semaphore(%run_scoped3A : memref<!tpu.dma_semaphore, #tpu.memory_space<semaphore_mem>>) src(%dma_wait3A_33 : memref<16x128xf32, #tpu.memory_space<vmem_shared>>) dst(%dma_wait3A_30 : memref<16x128xf32, #tpu.memory_space<hbm>>)
        tpu.yield
      }) : () -> ()
    } else {
    }
    return
  }
}

module attributes {stable_mosaic.version = 14 : i64} {
  func.func @_tc_body(%arg0: i32, %arg1: memref<1000x128xf32, #tpu.memory_space<vmem>>, %arg2: memref<2x1000x128xf32, #tpu.memory_space<vmem>>, %arg3: memref<128x128xf32, #tpu.memory_space<vmem>>, %arg4: memref<128x128xf32, #tpu.memory_space<vmem>>, %arg5: memref<1x128xf32, #tpu.memory_space<vmem>>, %arg6: memref<128x40xf32, #tpu.memory_space<vmem>>, %arg7: memref<1x40xf32, #tpu.memory_space<vmem>>, %arg8: memref<1000x40xf32, #tpu.memory_space<vmem>>) attributes {dimension_semantics = [#tpu.dimension_semantics<arbitrary>], iteration_bounds = array<i64: 10>, scalar_prefetch = 0 : i64, scratch_operands = 0 : i64, tpu.core_type = #tpu.core_type<tc>, window_params = [{transform_indices = @transform_0, window_bounds = array<i64: 1000, 128>}, {transform_indices = @transform_1, window_bounds = array<i64: 2, 1000, 128>}, {pipeline_mode = #tpu.pipeline_mode<synchronous>, transform_indices = @transform_2, window_bounds = array<i64: 128, 128>}, {pipeline_mode = #tpu.pipeline_mode<synchronous>, transform_indices = @transform_3, window_bounds = array<i64: 128, 128>}, {pipeline_mode = #tpu.pipeline_mode<synchronous>, transform_indices = @transform_4, window_bounds = array<i64: 1, 128>}, {pipeline_mode = #tpu.pipeline_mode<synchronous>, transform_indices = @transform_5, window_bounds = array<i64: 128, 40>}, {pipeline_mode = #tpu.pipeline_mode<synchronous>, transform_indices = @transform_6, window_bounds = array<i64: 1, 40>}, {transform_indices = @transform_7, window_bounds = array<i64: 1000, 40>}]} {
    %get3A = arith.constant 0 : index
    %get3A_0 = arith.constant 0 : index
    %get3A_1 = vector.load %arg1[%get3A, %get3A_0] : memref<1000x128xf32, #tpu.memory_space<vmem>>, vector<1000x128xf32>
    %get3A_2 = arith.constant 0 : index
    %get3A_3 = arith.constant 0 : index
    %get3A_4 = arith.constant 0 : index
    %get3A_5 = vector.load %arg2[%get3A_2, %get3A_3, %get3A_4] : memref<2x1000x128xf32, #tpu.memory_space<vmem>>, vector<1x1000x128xf32>
    %get3A_6 = vector.shape_cast %get3A_5 : vector<1x1000x128xf32> to vector<1000x128xf32>
    %get3A_7 = arith.constant 1 : index
    %get3A_8 = arith.constant 0 : index
    %get3A_9 = arith.constant 0 : index
    %get3A_10 = vector.load %arg2[%get3A_7, %get3A_8, %get3A_9] : memref<2x1000x128xf32, #tpu.memory_space<vmem>>, vector<1x1000x128xf32>
    %get3A_11 = vector.shape_cast %get3A_10 : vector<1x1000x128xf32> to vector<1000x128xf32>
    %add3A = arith.addf %get3A_6, %get3A_11 : vector<1000x128xf32>
    %get3A_12 = arith.constant 0 : index
    %get3A_13 = arith.constant 0 : index
    %get3A_14 = vector.load %arg3[%get3A_12, %get3A_13] : memref<128x128xf32, #tpu.memory_space<vmem>>, vector<128x128xf32>
    %dot_general3A = arith.constant dense<0.000000e+00> : vector<1000x128xf32>
    %dot_general3A_15 = tpu.matmul %add3A, %get3A_14, %dot_general3A {dimension_numbers = #tpu.dot_dimension_numbers<[1], [0], [0], [1], [0, 0, 1, 1], [], []>, transpose_lhs_hint = false} : vector<1000x128xf32>, vector<128x128xf32>, vector<1000x128xf32> -> vector<1000x128xf32>
    %get3A_16 = arith.constant 0 : index
    %get3A_17 = arith.constant 0 : index
    %get3A_18 = vector.load %arg4[%get3A_16, %get3A_17] : memref<128x128xf32, #tpu.memory_space<vmem>>, vector<128x128xf32>
    %dot_general3A_19 = arith.constant dense<0.000000e+00> : vector<1000x128xf32>
    %dot_general3A_20 = tpu.matmul %get3A_1, %get3A_18, %dot_general3A_19 {dimension_numbers = #tpu.dot_dimension_numbers<[1], [0], [0], [1], [0, 0, 1, 1], [], []>, transpose_lhs_hint = false} : vector<1000x128xf32>, vector<128x128xf32>, vector<1000x128xf32> -> vector<1000x128xf32>
    %add3A_21 = arith.addf %dot_general3A_15, %dot_general3A_20 : vector<1000x128xf32>
    %get3A_22 = arith.constant 0 : index
    %get3A_23 = arith.constant 0 : index
    %get3A_24 = vector.load %arg5[%get3A_22, %get3A_23] : memref<1x128xf32, #tpu.memory_space<vmem>>, vector<1x128xf32>
    %add3A_25 = vector.broadcast %get3A_24 : vector<1x128xf32> to vector<1000x128xf32>
    %add3A_26 = arith.addf %add3A_21, %add3A_25 : vector<1000x128xf32>
    %tanh3A = math.tanh %add3A_26 : vector<1000x128xf32>
    %mul3A = arith.constant 1.000000e-01 : f32
    %mul3A_27 = vector.broadcast %mul3A : f32 to vector<1000x128xf32>
    %mul3A_28 = arith.mulf %mul3A_27, %tanh3A : vector<1000x128xf32>
    %add3A_29 = arith.addf %get3A_1, %mul3A_28 : vector<1000x128xf32>
    %get3A_30 = arith.constant 0 : index
    %get3A_31 = arith.constant 0 : index
    %get3A_32 = vector.load %arg6[%get3A_30, %get3A_31] : memref<128x40xf32, #tpu.memory_space<vmem>>, vector<128x40xf32>
    %dot_general3A_33 = arith.constant dense<0.000000e+00> : vector<1000x40xf32>
    %dot_general3A_34 = tpu.matmul %add3A_29, %get3A_32, %dot_general3A_33 {dimension_numbers = #tpu.dot_dimension_numbers<[1], [0], [0], [1], [0, 0, 1, 1], [], []>, transpose_lhs_hint = false} : vector<1000x128xf32>, vector<128x40xf32>, vector<1000x40xf32> -> vector<1000x40xf32>
    %get3A_35 = arith.constant 0 : index
    %get3A_36 = arith.constant 0 : index
    %get3A_37 = vector.load %arg7[%get3A_35, %get3A_36] : memref<1x40xf32, #tpu.memory_space<vmem>>, vector<1x40xf32>
    %add3A_38 = vector.broadcast %get3A_37 : vector<1x40xf32> to vector<1000x40xf32>
    %add3A_39 = arith.addf %dot_general3A_34, %add3A_38 : vector<1000x40xf32>
    %logistic3A = arith.negf %add3A_39 : vector<1000x40xf32>
    %logistic3A_40 = math.exp %logistic3A : vector<1000x40xf32>
    %logistic3A_41 = arith.constant 1.000000e+00 : f32
    %logistic3A_42 = vector.broadcast %logistic3A_41 : f32 to vector<1000x40xf32>
    %logistic3A_43 = arith.addf %logistic3A_42, %logistic3A_40 : vector<1000x40xf32>
    %logistic3A_44 = arith.divf %logistic3A_42, %logistic3A_43 : vector<1000x40xf32>
    %swap3A = arith.constant 0 : index
    %swap3A_45 = arith.constant 0 : index
    %swap3A_46 = vector.load %arg8[%swap3A, %swap3A_45] : memref<1000x40xf32, #tpu.memory_space<vmem>>, vector<1000x40xf32>
    tpu.vector_store %arg8[%swap3A, %swap3A_45], %logistic3A_44 {strides = array<i32>} : memref<1000x40xf32, #tpu.memory_space<vmem>>, vector<1000x40xf32>,
    return
  }
  func.func @transform_0(%arg0: i32) -> (i32, i32) {
    %c0_i32 = arith.constant 0 : i32
    %c0_i32_0 = arith.constant 0 : i32
    return %arg0, %c0_i32 : i32, i32
  }
  func.func @transform_1(%arg0: i32) -> (i32, i32, i32) {
    %c0_i32 = arith.constant 0 : i32
    %c0_i32_0 = arith.constant 0 : i32
    %c0_i32_1 = arith.constant 0 : i32
    return %c0_i32, %arg0, %c0_i32_0 : i32, i32, i32
  }
  func.func @transform_2(%arg0: i32) -> (i32, i32) {
    %c0_i32 = arith.constant 0 : i32
    %c0_i32_0 = arith.constant 0 : i32
    %c0_i32_1 = arith.constant 0 : i32
    return %c0_i32, %c0_i32_0 : i32, i32
  }
  func.func @transform_3(%arg0: i32) -> (i32, i32) {
    %c0_i32 = arith.constant 0 : i32
    %c0_i32_0 = arith.constant 0 : i32
    %c0_i32_1 = arith.constant 0 : i32
    return %c0_i32, %c0_i32_0 : i32, i32
  }
  func.func @transform_4(%arg0: i32) -> (i32, i32) {
    %c0_i32 = arith.constant 0 : i32
    %c0_i32_0 = arith.constant 0 : i32
    %c0_i32_1 = arith.constant 0 : i32
    return %c0_i32, %c0_i32_0 : i32, i32
  }
  func.func @transform_5(%arg0: i32) -> (i32, i32) {
    %c0_i32 = arith.constant 0 : i32
    %c0_i32_0 = arith.constant 0 : i32
    %c0_i32_1 = arith.constant 0 : i32
    return %c0_i32, %c0_i32_0 : i32, i32
  }
  func.func @transform_6(%arg0: i32) -> (i32, i32) {
    %c0_i32 = arith.constant 0 : i32
    %c0_i32_0 = arith.constant 0 : i32
    %c0_i32_1 = arith.constant 0 : i32
    return %c0_i32, %c0_i32_0 : i32, i32
  }
  func.func @transform_7(%arg0: i32) -> (i32, i32) {
    %c0_i32 = arith.constant 0 : i32
    %c0_i32_0 = arith.constant 0 : i32
    return %arg0, %c0_i32 : i32, i32
  }
}

</mosaic_0001>

<sc_bundles>
// kernel: kernel.4.cloned.1.call-start
scs
__scs_entry_jumppad:
0x0: {  	(pc) =	sbr.rel $0x88, $3  }
0x1: {  	(tag) =	ssettag $0x0;
	lr =	simm.s32 $0x1  }
0x2: {  	[smem:$0x3F98] =	sst lr;
	_ =	strace $0xD0000000  }
0x3: {  	_ = 	snop  }
0x4: {  	_ = 	snop  }
0x5: {  	_ = 	snop  }
0x6: {  	_ = 	snop  }
0x7: {  	_ = 	snop  }
__scs_overlays_trampoline_lowered:
0x8: {  	[smem:$0x3FA7] =	sst s0  }
0x9: {  	[smem:$0x3FA8] =	sst s1  }
0xa: {  	[smem:$0x3FA9] =	sst s2  }
0xb: {  	[smem:$0x3FAA] =	sst s3  }
0xc: {  	[smem:$0x3FAB] =	sst s4  }
0xd: {  	[smem:$0x3FAC] =	sst s5  }
0xe: {  	[smem:$0x3FAD] =	sst s6  }
0xf: {  	[smem:$0x3FAE] =	sst s7  }
0x10: {  	[smem:$0x3FAF] =	sst s8  }
0x11: {  	[smem:$0x3FB0] =	sst s9;
	s0 =	simm.s32 @!p0 $0x0  }
0x12: {  	s1 =	sld [smem:$0x3F96];
	s0 =	simm.s32 @p0 $0x1  }
0x13: {  	[smem:$0x3FB1] =	sst s0;
	s0 =	simm.s32 @!p1 $0x0  }
0x14: {  	s2 =	sld [smem:$0x3F95];
	s0 =	simm.s32 @p1 $0x1  }
0x15: {  	[smem:$0x3FB2] =	sst s0;
	s0 =	simm.s32 @!p2 $0x0  }
0x16: {  	s3 =	sld [smem:$0x3FDB];
	s0 =	simm.s32 @p2 $0x1  }
0x17: {  	s4 =	simm.s32 $0x1BF5;
	[smem:$0x3FB4] =	sst s0  }
0x18: {  	s0 =	sld [smem:$0x3F97];
	_ =	swait.ge [sflag:s4], $0x0  }
0x19: {  	s7 =	sld [smem:$0x3F98]  }
0x1a: {  	s8 =	sadd.s32 $0xFFFFE003, lr  }
0x1b: {  	s9 =	sadd.s32 $0xFFFFFEF7, lr;
	s5 =	simm.s32 $0xFFFFFFFF;
	p2 =	slt.u32 s8, $0xFFFFF086  }
0x1c: {  	p1 =	slt.u32 s9, $0xF7A;
	s5 =	simm.s32 @!p2 $0x0  }
0x1d: {  	s5 =	simm.s32 @p1 $0x1;
	p0 =	seq.s32 s7, s2  }
0x1e: {  	s7 =	smul.u32 @!p0 $0xF7A, s2;
	p2 =	seq.s32 @!p0 s5, $0x0  }
0x1f: {  	s9 =	smul.u32 $0xF7A, s1;
	s8 =	simm.s32 @!p0 $0x1BF5;
	p2 =	por !p2, p0  }
0x20: {  	[sflag:s8] =	ssyncset.s32 @!p0 $0xFFFFF086;
	s6 =	sadd.s32 @!p0 s3, s7;
	s7 =	simm.s32 @!p0 $0x108  }
0x21: {  	s3 =	sadd.s32 s3, s9;
	s6 =	sadd.s32 @!p0 $0x88, s6;
	s7 =	simm.s32 @p2 $0x1082  }
0x22: {  	[simem:s7], [sflag:s8] =	dma.local @!p0 [hbm:s6], $0xF7A  }
0x23: {  	s9 =	sor.u32 $0xD0000000, s2;
	s6 =	simm.s32 $0x108;
	_ =	swait.ge @!p0 [sflag:s8], $0x0  }
0x24: {  	s3 =	sadd.s32 $0x88, s3;
	s6 =	simm.s32 @!p1 $0x1082;
	[sflag:s4] =	ssyncset.s32 $0xFFFFF086  }
0x25: {  	[simem:s6], [sflag:s4] =	dma.local [hbm:s3], $0xF7A  }
0x26: {  	[smem:$0x3F98] =	sst s1;
	(tag) =	ssettag s2;
	_ =	strace s9  }
0x27: {  	s1 =	sld [smem:$0x3FA8]  }
0x28: {  	s2 =	sld [smem:$0x3FA9]  }
0x29: {  	s4 =	sld [smem:$0x3FAB]  }
0x2a: {  	p0 =	seq.s32 s5, $0x0;
	s5 =	sld [smem:$0x3FAC]  }
0x2b: {  	s6 =	sld [smem:$0x3FAD]  }
0x2c: {  	s7 =	sld [smem:$0x3FAE]  }
0x2d: {  	s3 =	simm.s32 $0x108;
	s8 =	sld [smem:$0x3FAF]  }
0x2e: {  	s3 =	simm.s32 @!p0 $0x1082;
	s9 =	sld [smem:$0x3FB0]  }
0x2f: {  	lr =	sadd.s32 s0, s3;
	s0 =	sld [smem:$0x3FA7]  }
0x30: {  	s3 =	sld [smem:$0x3FAA]  }
0x31: {  	[smem:$0x3FB3] =	sst s10  }
0x32: {  	s10 =	sld [smem:$0x3FB1];
	_ =	sdelay $0x3  }
0x33: {  	p0 =	seq.s32 s10, $0x1;
	s10 =	sld [smem:$0x3FB3];
	_ =	sdelay $0x3  }
0x34: {  	[smem:$0x3FB3] =	sst s10  }
0x35: {  	s10 =	sld [smem:$0x3FB2];
	_ =	sdelay $0x3  }
0x36: {  	p1 =	seq.s32 s10, $0x1;
	s10 =	sld [smem:$0x3FB3];
	_ =	sdelay $0x3  }
0x37: {  	[smem:$0x3FB3] =	sst s10  }
0x38: {  	s10 =	sld [smem:$0x3FB4]  }
0x39: {  	_ = 	snop;
	(pc) =	sbr.ind lr, $3  }
0x3a: {  	_ = 	snop  }
0x3b: {  	_ = 	snop  }
0x3c: {  	p2 =	seq.s32 s10, $0x1;
	s10 =	sld [smem:$0x3FB3]  }
0x3d: {  	_ =	shalt  }
0x3e: {  	_ =	shalt  }
0x3f: {  	_ =	shalt  }
0x40: {  	_ =	shalt  }
0x41: {  	_ =	shalt  }
0x42: {  	_ =	shalt  }
0x43: {  	_ =	shalt  }
0x44: {  	_ =	shalt  }
0x45: {  	_ =	shalt  }
0x46: {  	_ =	shalt  }
0x47: {  	_ =	shalt  }
0x48: {  	_ =	shalt  }
0x49: {  	_ =	shalt  }
0x4a: {  	_ =	shalt  }
0x4b: {  	_ =	shalt  }
0x4c: {  	_ =	shalt  }
0x4d: {  	_ =	shalt  }
0x4e: {  	_ =	shalt  }
0x4f: {  	_ =	shalt  }
0x50: {  	_ =	shalt  }
0x51: {  	_ =	shalt  }
0x52: {  	_ =	shalt  }
0x53: {  	_ =	shalt  }
0x54: {  	_ =	shalt  }
0x55: {  	_ =	shalt  }
0x56: {  	_ =	shalt  }
0x57: {  	_ =	shalt  }
0x58: {  	_ =	shalt  }
0x59: {  	_ =	shalt  }
0x5a: {  	_ =	shalt  }
0x5b: {  	_ =	shalt  }
0x5c: {  	_ =	shalt  }
0x5d: {  	_ =	shalt  }
0x5e: {  	_ =	shalt  }
0x5f: {  	_ =	shalt  }
0x60: {  	_ =	shalt  }
0x61: {  	_ =	shalt  }
0x62: {  	_ =	shalt  }
0x63: {  	_ =	shalt  }
0x64: {  	_ =	shalt  }
0x65: {  	_ =	shalt  }
0x66: {  	_ =	shalt  }
0x67: {  	_ =	shalt  }
0x68: {  	_ =	shalt  }
0x69: {  	_ =	shalt  }
0x6a: {  	_ =	shalt  }
0x6b: {  	_ =	shalt  }
0x6c: {  	_ =	shalt  }
0x6d: {  	_ =	shalt  }
0x6e: {  	_ =	shalt  }
0x6f: {  	_ =	shalt  }
0x70: {  	_ =	shalt  }
0x71: {  	_ =	shalt  }
0x72: {  	_ =	shalt  }
0x73: {  	_ =	shalt  }
0x74: {  	_ =	shalt  }
0x75: {  	_ =	shalt  }
0x76: {  	_ =	shalt  }
0x77: {  	_ =	shalt  }
0x78: {  	_ =	shalt  }
0x79: {  	_ =	shalt  }
0x7a: {  	_ =	shalt  }
0x7b: {  	_ =	shalt  }
0x7c: {  	_ =	shalt  }
0x7d: {  	_ =	shalt  }
0x7e: {  	_ =	shalt  }
0x7f: {  	_ =	shalt  }
0x80: {  	_ =	shalt  }
0x81: {  	_ =	shalt  }
0x82: {  	_ =	shalt  }
0x83: {  	_ =	shalt  }
0x84: {  	_ =	shalt  }
0x85: {  	_ =	shalt  }
0x86: {  	_ =	shalt  }
0x87: {  	_ =	shalt  }
.Lfunc_end0:
.L_simem_size_0:
called_computation_lowered:
.L_overlay_start_0:
0x88: {  	s2 =	sld [smem:$0x3FD9]  }
0x89: {  	s3 =	sld [smem:$0x3FFE];
	_ =	sdelay $0x1  }
0x8a: {  	s1 =	srdreg.scid  }
0x8b: {  	s0 =	sand.u32 $0x1, s1  }
0x8c: {  	s17 =	sshll.u32 s0, $0xA;
	s2 =	sadd.s32 s3, s2  }
0x8d: {  	s2 =	sadd.s32 s2, s17  }
0x8e: {  	[smem:$0x3FBF] =	sst s2  }
0x8f: {  	_ = 	snop  }
0x90: {  	s2 =	sld [smem:$0x3FC8];
	(tm) =	ssettm $0x1  }
0x91: {  	s18 =	sld [smem:$0x3FFB];
	_ =	sdelay $0x3  }
0x92: {  	_ =	strace s18  }
0x93: {  	s3 =	sld [smem:$0x3FFC];
	_ =	sdelay $0x3  }
0x94: {  	_ =	strace s3  }
0x95: {  	s3 =	sld [smem:$0x3FFD];
	_ =	sdelay $0x3  }
0x96: {  	_ =	strace s3  }
0x97: {  	_ =	strace $0x8FFFFFFF  }
0x98: {  	s19 =	sld [smem:$0x3FDB];
	_ =	sdelay $0x1  }
0x99: {  	s4 =	simm.s32 $_scs_section_size  }
0x9a: {  	s5 =	simm.s32 $_size__tile_overlayer_lowered;
	s6 =	simm.s32 $_tile_overlayer_lowered  }
0x9b: {  	s22 =	simm.s32 $0x1BFF;
	s21 =	sshll.u32 s6, $0x1;
	s3 =	sadd.s32 s4, s19  }
0x9c: {  	s7 =	simm.s32 $0x0;
	s20 =	sshll.u32 s5, $0x1;
	s5 =	sadd.s32 s21, s3  }
0x9d: {  	[timem:s7], [sflag:s22] =	dma.local [hbm:s5], s20  }
0x9e: {  	_ =	swait.ge [sflag:s22], s20  }
0x9f: {  	s4 =	ssub.s32 $0x0, s20;
	[sflag:s22] =	ssyncset.done $0x0  }
0xa0: {  	[sflag:s22] =	ssyncadd.s32 s4;
	_ =	sdelay $0x1  }
0xa1: {  	s23 =	simm.s32 $0x1B8B  }
0xa2: {  	_ =	swait.ge [sflag:s23], $0x1  }
0xa3: {  	[sflag:s23] =	ssyncset.done $0x0  }
0xa4: {  	s25 =	simm.s32 $0x1B8E;
	s24 =	sld [smem:$0x3FFE];
	[sflag:s23] =	ssyncadd.s32 $0xFFFFFFFF  }
0xa5: {  	s26 =	simm.s32 $execute0_lowered;
	[smem:$0x3FD2] =	sst s25  }
0xa6: {  	s5 =	sshll.u32 s26, $0x1;
	_ =	strace $0x80000046;
	[dreg:$0x1] =	wrdreg $0xFFFFFFFF  }
0xa7: {  	s28 =	simm.s32 $_size_execute0_lowered;
	s3 =	sadd.s32 s3, s5;
	[dreg:$0x0] =	wrdreg $0x0  }
0xa8: {  	s5 =	sshll.u32 s28, $0x1;
	[dreg:$0x2] =	wrdreg s3  }
0xa9: {  	[dreg:$0x3] =	wrdreg s5  }
0xaa: {  	[dreg:$0x4] =	wrdreg $0xC0  }
0xab: {  	_ =	task [dreg:s7], $0x5FFFF  }
0xac: {  	[dreg:$0x1] =	wrdreg $0xFFFFFFFF  }
0xad: {  	[dreg:$0x0] =	wrdreg $0x60  }
0xae: {  	[dreg:$0x2] =	wrdreg s24  }
0xaf: {  	[dreg:$0x3] =	wrdreg s2  }
0xb0: {  	[dreg:$0x4] =	wrdreg $0xA8000  }
0xb1: {  	[dreg:$0x5] =	wrdreg $0x9  }
0xb2: {  	_ =	task.clear_ibuf [dreg:s7], $0x6FFFF;
	_ =	strace $0x90000046  }
0xb3: {  	s29 =	simm.s32 $0x9;
	_ =	strace $0x80000048  }
0xb4: {  	_ =	swait.ge [sflag:s29], $0x1  }
0xb5: {  	[sflag:s29] =	ssyncadd.s32 $0xFFFFFFFF  }
0xb6: {  	_ =	strace $0x90000048  }
0xb7: {  	_ =	sfence  }
0xb8: {  	s30 =	sld [smem:$0x0];
	_ =	sdelay $0x2  }
0xb9: {  	s31 =	sshll.u32 s1, $0xD;
	s1 =	sshrl.u32 s1, $0x2  }
0xba: {  	s3 =	sand.u32 $0x4000, s31;
	s1 =	sadd.s32 s1, s30  }
0xbb: {  	s0 =	sor.u32 s3, s0;
	s1 =	sshll.u32 s1, $0x11  }
0xbc: {  	s0 =	sor.u32 s1, s0  }
0xbd: {  	s0 =	sadd.s32 $0x8F2B, s0  }
0xbe: {  	[sflag:s0] =	ssyncadd.remote.s32 $0x1  }
0xbf: {  	_ =	sfence.sel $0xFFFF  }
0xc0: {  	[dreg:$0x0] =	wrdreg $0xFFFFFFFF;
	(pc) =	sbr.abs _section_cstart, $3  }
0xc1: {  	[dreg:$0x1] =	wrdreg $0xFFFFFFFF  }
0xc2: {  	_ =	task.clear_ibuf [dreg:s7], $0x2FFFF;
	_ =	strace $0x9FFFFFFF  }
0xc3: {  	(tm) =	ssettm $0x7FFFFFFF  }
tec
execute0_lowered:
.L_overlay_start_1:
0x0: {  	(tag) =	ssettag $0x1  }
0x1: {  	s7 =	rddreg [dreg:$0x0]  }
0x2: {  	s2 =	rddreg [dreg:$0x1]  }
0x3: {  	s0 =	srdreg.scid;
	s3 =	rddreg [dreg:$0x2]  }
0x4: {  	s4 =	simm.s32 $0x0;
	s16 =	simm.s32 $0x2;
	s18 =	simm.s32 $0x1400  }
0x5: {  	s19 =	simm.s32 $0x7D;
	s20 =	simm.s32 $0x2800;
	s21 =	simm.s32 $0x1  }
0x6: {  	s22 =	simm.s32 $0x6800;
	s23 =	simm.s32 $0x1380;
	s24 =	simm.s32 $0x2700  }
0x7: {  	s25 =	simm.s32 $0x2780;
	s5 =	sand.u32 $0x1, s0;
	s0 =	stileid.u32  }
0x8: {  	[smem:$0x7FF] =	sst s4;
	s11 =	sadd.s32 $0x3CE00, s7;
	s8 =	smul.u32 $0x13800, s0  }
0x9: {  	s17 =	sadd.s32 $0x138000, s3;
	s1 =	sshll.u32 s5, $0x4;
	s10 =	smul.u32 $0x4E000, s0  }
0xa: {  	s9 =	ssub.s32 $0x2, s5;
	s29 =	smul.u32 $0x138800, s5;
	s30 =	sshll.u32 s0, $0x6  }
0xb: {  	p0 =	sne.s32 s0, $0xF;
	s1 =	sor.u32 s0, s1;
	s12 =	sshrl.u32 s9, $0x1  }
0xc: {  	s17 =	sshrl.u32 @!p0 s17, $0x3;
	s6 =	smul.u32 $0x2800, s1;
	s1 =	rddreg [dreg:$0x3]  }
0xd: {  	_ =	strace $0x80000047;
	s26 =	sshrl.u32 s8, $0x3;
	s12 =	ssub.s32 s9, s12  }
0xe: {  	s28 =	sshrl.u32 s10, $0x2;
	s8 =	sadd.s32 s8, s29;
	s31 =	sshrl.u32 s29, $0x3  }
0xf: {  	s15 =	sadd.s32 s28, s3;
	s8 =	sshrl.u32 s8, $0x3;
	s9 =	sadd.s32 s11, s31  }
0x10: {  	s10 =	smax.u32 s12, $0x1;
	s6 =	sshrl.u32 s6, $0x3;
	s8 =	sadd.s32 s11, s8  }
0x11: {  	s9 =	sadd.s32 $0x27000, s9;
	s15 =	sshrl.u32 s15, $0x3;
	s14 =	sadd.s32 s6, s7  }
0x12: {  	s6 =	sadd.s32 s26, s7;
	s7 =	sadd.s32 $0x3CC00, s7;
	s26 =	simm.s32 $0x0  }
0x13: {  	s5 =	sadd.s32 $0x15C00, s6;
	s6 =	sor.u32 $0x1C02, s30;
	s11 =	sadd.s32 $0x1C00, s14  }
0x14: {  	s12 =	sadd.s32 $0xBC00, s14;
	s13 =	sadd.s32 $0x1E80, s14;
	s14 =	sadd.s32 $0xBE80, s14  }
.LBB2_1:
0x15: {  	[spmem:s15], [sflag:s6] =	dma.local [hbm:s5], $0x2700  }
0x16: {  	_ =	swait.ge [sflag:s16], $0x2700  }
0x17: {  	[sflag:s16] =	ssyncset.done $0x0  }
0x18: {  	s28 =	simm.s32 @!p0 $0x2;
	[sflag:s16] =	ssyncadd.s32 $0xFFFFD900  }
0x19: {  	[spmem:s17], [sflag:s6] =	dma.local @!p0 [hbm:s7], $0x100  }
0x1a: {  	_ =	swait.ge @!p0 [sflag:s28], $0x100  }
0x1b: {  	[sflag:s28] =	ssyncset.done @!p0 $0x0  }
0x1c: {  	[sflag:s28] =	ssyncadd.s32 @!p0 $0xFFFFFF00  }
0x1d: {  	[bflag:$0x0] =	sbarrier.arrive $0xFFFF  }
0x1e: {  	[tilespmem:s4], [sflag:$0x2] =	stream.linear.gather [hbm4b:s11+s4], $0x1400, $0x38;
	[tilespmem:$0x1E080] =	vst v63  }
0x1f: {  	_ =	swait.ge [sflag:s16], $0x1400  }
0x20: {  	[sflag:s16] =	ssyncset.done $0x0  }
0x21: {  	[sflag:s16] =	ssyncadd.s32 $0xFFFFEC00  }
0x22: {  	[tilespmem:s18], [sflag:$0x2] =	stream.linear.gather [hbm4b:s12+s4], $0x1400, $0x38;
	[tilespmem:$0x1E080] =	vst v63  }
0x23: {  	_ =	swait.ge [sflag:s16], $0x1400  }
0x24: {  	[sflag:s16] =	ssyncset.done $0x0  }
0x25: {  	[sflag:s16] =	ssyncadd.s32 $0xFFFFEC00  }
0x26: {  	[tilespmem:s20], [sflag:$0x1] =	stream.indirect.gather [hbm4b:s2+s19], $0x80, s4, s19, $0xb8;
	[tilespmem:$0x1E080] =	vst v63  }
0x27: {  	_ =	swait.ge [sflag:s21], $0x3E80  }
0x28: {  	[sflag:s21] =	ssyncset.done $0x0  }
0x29: {  	s28 =	simm.s32 $0x80;
	[sflag:s21] =	ssyncadd.s32 $0xFFFFC180  }
0x2a: {  	[tilespmem:s22], [sflag:$0x1] =	stream.indirect.gather [hbm4b:s2+s19], $0x80, s28, s19, $0xb8;
	[tilespmem:$0x1E080] =	vst v63  }
0x2b: {  	s28 =	simm.s32 $0x1400  }
0x2c: {  	[spmem:s3] =	stream.indirect.scatter.add.f32 [tilespmem:s20], [sflag:$0x2], $0x80, s28, s19, $0xb8;
	[tilespmem:$0x1E080] =	vst v63  }
0x2d: {  	_ =	swait.ge [sflag:s16], $0x3E80  }
0x2e: {  	[sflag:s16] =	ssyncset.done $0x0  }
0x2f: {  	[sflag:s16] =	ssyncadd.s32 $0xFFFFC180  }
0x30: {  	_ =	swait.ge [sflag:s21], $0x3E80  }
0x31: {  	[sflag:s21] =	ssyncset.done $0x0  }
0x32: {  	s28 =	simm.s32 $0x100;
	[sflag:s21] =	ssyncadd.s32 $0xFFFFC180  }
0x33: {  	[tilespmem:s20], [sflag:$0x1] =	stream.indirect.gather [hbm4b:s2+s19], $0x80, s28, s19, $0xb8;
	[tilespmem:$0x1E080] =	vst v63  }
0x34: {  	s28 =	simm.s32 $0x1480  }
0x35: {  	[spmem:s3] =	stream.indirect.scatter.add.f32 [tilespmem:s22], [sflag:$0x2], $0x80, s28, s19, $0xb8;
	[tilespmem:$0x1E080] =	vst v63  }
0x36: {  	_ =	swait.ge [sflag:s16], $0x3E80  }
0x37: {  	s28 =	simm.s32 $0x400;
	[sflag:s16] =	ssyncset.done $0x0  }
.LBB2_2:
0x38: {  	p1 =	sne.s32 s28, $0x4800  }
0x39: {  	[sflag:s16] =	ssyncadd.s32 $0xFFFFC180;
	s29 =	smov.u32 s28;
	s28 =	sadd.s32 $0x400, s28  }
0x3a: {  	_ = 	snop  }
0x3b: {  	_ =	swait.ge [sflag:s21], $0x3E80  }
0x3c: {  	s29 =	sshra.s32 s29, $0x2;
	[sflag:s21] =	ssyncset.done $0x0  }
0x3d: {  	s30 =	sadd.s32 $0x80, s29;
	[sflag:s21] =	ssyncadd.s32 $0xFFFFC180  }
0x3e: {  	[tilespmem:s22], [sflag:$0x1] =	stream.indirect.gather [hbm4b:s2+s19], $0x80, s30, s19, $0xb8;
	[tilespmem:$0x1E080] =	vst v63  }
0x3f: {  	s30 =	sadd.s32 $0x1400, s29  }
0x40: {  	[spmem:s3] =	stream.indirect.scatter.add.f32 [tilespmem:s20], [sflag:$0x2], $0x80, s30, s19, $0xb8;
	[tilespmem:$0x1E080] =	vst v63  }
0x41: {  	_ =	swait.ge [sflag:s16], $0x3E80  }
0x42: {  	[sflag:s16] =	ssyncset.done $0x0  }
0x43: {  	[sflag:s16] =	ssyncadd.s32 $0xFFFFC180  }
0x44: {  	_ =	swait.ge [sflag:s21], $0x3E80  }
0x45: {  	[sflag:s21] =	ssyncset.done $0x0  }
0x46: {  	s30 =	sadd.s32 $0x100, s29;
	[sflag:s21] =	ssyncadd.s32 $0xFFFFC180  }
0x47: {  	[tilespmem:s20], [sflag:$0x1] =	stream.indirect.gather [hbm4b:s2+s19], $0x80, s30, s19, $0xb8;
	[tilespmem:$0x1E080] =	vst v63  }
.Ltmp0:
0x48: {  	_ = 	snop;
	(pc) =	sbr.rel @p1 .LBB2_2-.Ltmp0, $4  }
0x49: {  	s29 =	sadd.s32 $0x1480, s29  }
0x4a: {  	[spmem:s3] =	stream.indirect.scatter.add.f32 [tilespmem:s22], [sflag:$0x2], $0x80, s29, s19, $0xb8;
	[tilespmem:$0x1E080] =	vst v63  }
0x4b: {  	_ =	swait.ge [sflag:s16], $0x3E80  }
0x4c: {  	[sflag:s16] =	ssyncset.done $0x0  }
0x4d: {  	[sflag:s16] =	ssyncadd.s32 $0xFFFFC180  }
0x4e: {  	_ =	swait.ge [sflag:s21], $0x3E80  }
0x4f: {  	[sflag:s21] =	ssyncset.done $0x0  }
0x50: {  	[sflag:s21] =	ssyncadd.s32 $0xFFFFC180  }
0x51: {  	[tilespmem:s22], [sflag:$0x1] =	stream.indirect.gather [hbm4b:s2+s19], $0x80, s23, s19, $0xb8;
	[tilespmem:$0x1E080] =	vst v63  }
0x52: {  	_ = 	snop  }
0x53: {  	[spmem:s3] =	stream.indirect.scatter.add.f32 [tilespmem:s20], [sflag:$0x2], $0x80, s24, s19, $0xb8;
	[tilespmem:$0x1E080] =	vst v63  }
0x54: {  	_ =	swait.ge [sflag:s16], $0x3E80  }
0x55: {  	[sflag:s16] =	ssyncset.done $0x0  }
0x56: {  	[sflag:s16] =	ssyncadd.s32 $0xFFFFC180  }
0x57: {  	_ =	swait.ge [sflag:s21], $0x3E80  }
0x58: {  	[sflag:s21] =	ssyncset.done $0x0  }
0x59: {  	[sflag:s21] =	ssyncadd.s32 $0xFFFFC180  }
0x5a: {  	[spmem:s3] =	stream.indirect.scatter.add.f32 [tilespmem:s22], [sflag:$0x2], $0x80, s25, s19, $0xb8;
	[tilespmem:$0x1E080] =	vst v63  }
0x5b: {  	_ =	swait.ge [sflag:s16], $0x3E80  }
0x5c: {  	[sflag:s16] =	ssyncset.done $0x0  }
0x5d: {  	s28 =	simm.s32 $0x0;
	[sflag:s16] =	ssyncadd.s32 $0xFFFFC180  }
0x5e: {  	[tilespmem:s28], [sflag:$0x2] =	stream.linear.gather [hbm4b:s13+s28], $0x1400, $0x38;
	[tilespmem:$0x1E080] =	vst v63  }
0x5f: {  	_ =	swait.ge [sflag:s16], $0x1400  }
0x60: {  	[sflag:s16] =	ssyncset.done $0x0  }
0x61: {  	[sflag:s16] =	ssyncadd.s32 $0xFFFFEC00  }
0x62: {  	[tilespmem:s18], [sflag:$0x2] =	stream.linear.gather [hbm4b:s14+s28], $0x1400, $0x38;
	[tilespmem:$0x1E080] =	vst v63  }
0x63: {  	_ =	swait.ge [sflag:s16], $0x1400  }
0x64: {  	[sflag:s16] =	ssyncset.done $0x0  }
0x65: {  	[sflag:s16] =	ssyncadd.s32 $0xFFFFEC00  }
0x66: {  	[tilespmem:s20], [sflag:$0x1] =	stream.indirect.gather [hbm4b:s2+s19], $0x80, s28, s19, $0xb8;
	[tilespmem:$0x1E080] =	vst v63  }
0x67: {  	_ =	swait.ge [sflag:s21], $0x3E80  }
0x68: {  	[sflag:s21] =	ssyncset.done $0x0  }
0x69: {  	s28 =	simm.s32 $0x80;
	[sflag:s21] =	ssyncadd.s32 $0xFFFFC180  }
0x6a: {  	[tilespmem:s22], [sflag:$0x1] =	stream.indirect.gather [hbm4b:s2+s19], $0x80, s28, s19, $0xb8;
	[tilespmem:$0x1E080] =	vst v63  }
0x6b: {  	s28 =	simm.s32 $0x1400  }
0x6c: {  	[spmem:s3] =	stream.indirect.scatter.add.f32 [tilespmem:s20], [sflag:$0x2], $0x80, s28, s19, $0xb8;
	[tilespmem:$0x1E080] =	vst v63  }
0x6d: {  	_ =	swait.ge [sflag:s16], $0x3E80  }
0x6e: {  	[sflag:s16] =	ssyncset.done $0x0  }
0x6f: {  	[sflag:s16] =	ssyncadd.s32 $0xFFFFC180  }
0x70: {  	_ =	swait.ge [sflag:s21], $0x3E80  }
0x71: {  	[sflag:s21] =	ssyncset.done $0x0  }
0x72: {  	s28 =	simm.s32 $0x100;
	[sflag:s21] =	ssyncadd.s32 $0xFFFFC180  }
0x73: {  	[tilespmem:s20], [sflag:$0x1] =	stream.indirect.gather [hbm4b:s2+s19], $0x80, s28, s19, $0xb8;
	[tilespmem:$0x1E080] =	vst v63  }
0x74: {  	s28 =	simm.s32 $0x1480  }
0x75: {  	[spmem:s3] =	stream.indirect.scatter.add.f32 [tilespmem:s22], [sflag:$0x2], $0x80, s28, s19, $0xb8;
	[tilespmem:$0x1E080] =	vst v63  }
0x76: {  	_ =	swait.ge [sflag:s16], $0x3E80  }
0x77: {  	s28 =	simm.s32 $0x400;
	[sflag:s16] =	ssyncset.done $0x0  }
.LBB2_4:
0x78: {  	p1 =	sne.s32 s28, $0x4800  }
0x79: {  	[sflag:s16] =	ssyncadd.s32 $0xFFFFC180;
	s29 =	smov.u32 s28;
	s28 =	sadd.s32 $0x400, s28  }
0x7a: {  	_ = 	snop  }
0x7b: {  	_ =	swait.ge [sflag:s21], $0x3E80  }
0x7c: {  	s29 =	sshra.s32 s29, $0x2;
	[sflag:s21] =	ssyncset.done $0x0  }
0x7d: {  	s30 =	sadd.s32 $0x80, s29;
	[sflag:s21] =	ssyncadd.s32 $0xFFFFC180  }
0x7e: {  	[tilespmem:s22], [sflag:$0x1] =	stream.indirect.gather [hbm4b:s2+s19], $0x80, s30, s19, $0xb8;
	[tilespmem:$0x1E080] =	vst v63  }
0x7f: {  	s30 =	sadd.s32 $0x1400, s29  }
0x80: {  	[spmem:s3] =	stream.indirect.scatter.add.f32 [tilespmem:s20], [sflag:$0x2], $0x80, s30, s19, $0xb8;
	[tilespmem:$0x1E080] =	vst v63  }
0x81: {  	_ =	swait.ge [sflag:s16], $0x3E80  }
0x82: {  	[sflag:s16] =	ssyncset.done $0x0  }
0x83: {  	[sflag:s16] =	ssyncadd.s32 $0xFFFFC180  }
0x84: {  	_ =	swait.ge [sflag:s21], $0x3E80  }
0x85: {  	[sflag:s21] =	ssyncset.done $0x0  }
0x86: {  	s30 =	sadd.s32 $0x100, s29;
	[sflag:s21] =	ssyncadd.s32 $0xFFFFC180  }
0x87: {  	[tilespmem:s20], [sflag:$0x1] =	stream.indirect.gather [hbm4b:s2+s19], $0x80, s30, s19, $0xb8;
	[tilespmem:$0x1E080] =	vst v63  }
.Ltmp1:
0x88: {  	_ = 	snop;
	(pc) =	sbr.rel @p1 .LBB2_4-.Ltmp1, $4  }
0x89: {  	s29 =	sadd.s32 $0x1480, s29  }
0x8a: {  	[spmem:s3] =	stream.indirect.scatter.add.f32 [tilespmem:s22], [sflag:$0x2], $0x80, s29, s19, $0xb8;
	[tilespmem:$0x1E080] =	vst v63  }
0x8b: {  	_ =	swait.ge [sflag:s16], $0x3E80  }
0x8c: {  	[sflag:s16] =	ssyncset.done $0x0  }
0x8d: {  	[sflag:s16] =	ssyncadd.s32 $0xFFFFC180  }
0x8e: {  	_ =	swait.ge [sflag:s21], $0x3E80  }
0x8f: {  	[sflag:s21] =	ssyncset.done $0x0  }
0x90: {  	[sflag:s21] =	ssyncadd.s32 $0xFFFFC180  }
0x91: {  	[tilespmem:s22], [sflag:$0x1] =	stream.indirect.gather [hbm4b:s2+s19], $0x80, s23, s19, $0xb8;
	[tilespmem:$0x1E080] =	vst v63  }
0x92: {  	_ = 	snop  }
0x93: {  	[spmem:s3] =	stream.indirect.scatter.add.f32 [tilespmem:s20], [sflag:$0x2], $0x80, s24, s19, $0xb8;
	[tilespmem:$0x1E080] =	vst v63  }
0x94: {  	_ =	swait.ge [sflag:s16], $0x3E80  }
0x95: {  	[sflag:s16] =	ssyncset.done $0x0  }
0x96: {  	[sflag:s16] =	ssyncadd.s32 $0xFFFFC180  }
0x97: {  	_ =	swait.ge [sflag:s21], $0x3E80  }
0x98: {  	[sflag:s21] =	ssyncset.done $0x0  }
0x99: {  	[sflag:s21] =	ssyncadd.s32 $0xFFFFC180  }
0x9a: {  	[spmem:s3] =	stream.indirect.scatter.add.f32 [tilespmem:s22], [sflag:$0x2], $0x80, s25, s19, $0xb8;
	[tilespmem:$0x1E080] =	vst v63  }
0x9b: {  	_ =	swait.ge [sflag:s16], $0x3E80  }
0x9c: {  	[sflag:s16] =	ssyncset.done $0x0  }
0x9d: {  	[sflag:s16] =	ssyncadd.s32 $0xFFFFC180  }
0x9e: {  	[bflag:$0x0] =	sbarrier.arrive $0xFFFF  }
0x9f: {  	[hbm:s8], [sflag:s6] =	dma.local [spmem:s15], $0x2700  }
0xa0: {  	s26 =	sadd.s32 $0x1, s26;
	_ =	swait.ge [sflag:s16], $0x2700  }
0xa1: {  	p1 =	sne.s32 s26, s10;
	[sflag:s16] =	ssyncset.done $0x0  }
.Ltmp2:
0xa2: {  	s28 =	simm.s32 @!p0 $0x2;
	[sflag:s16] =	ssyncadd.s32 $0xFFFFD900;
	(pc) =	sbr.rel @p1 .LBB2_1-.Ltmp2, $4  }
0xa3: {  	[hbm:s9], [sflag:s6] =	dma.local @!p0 [spmem:s17], $0x100  }
0xa4: {  	_ =	swait.ge @!p0 [sflag:s28], $0x100  }
0xa5: {  	[sflag:s28] =	ssyncset.done @!p0 $0x0  }
0xa6: {  	[sflag:s28] =	ssyncadd.s32 @!p0 $0xFFFFFF00  }
0xa7: {  	_ =	sfence.sel $0x180000  }
0xa8: {  	[bflag:$0x0] =	sbarrier.arrive $0xFFFF  }
0xa9: {  	p0 =	sne.s32 s0, $0x0;
	_ =	strace $0x90000047  }
0xaa: {  	s0 =	sadd.s32 @!p0 $0x100000, s1;
	[bflag:$0x2] =	sbarrier.arrive $0xFFFF  }
0xab: {  	[sflag:s0] =	ssyncadd.tile.s32 @!p0 $0x1;
	_ =	shalt  }
.Lfunc_end2:
_tile_overlayer_lowered:
.L_overlay_start_2:
0xac: {  	(tag) =	ssettag $0x2  }
0xad: {  	s0 =	rddreg [dreg:$0x0];
	s2 =	stileid.u32  }
0xae: {  	s1 =	rddreg [dreg:$0x1];
	p0 =	sne.s32 s2, $0x0  }
0xaf: {  	s3 =	rddreg [dreg:$0x2];
	[bflag:$0x3] =	sbarrier.arrive $0xFFFF;
	s2 =	simm.s32 @!p0 $0x1C02  }
0xb0: {  	[timem:s3], [sflag:s2] =	dma.local @!p0 [hbm:s0], s1  }
0xb1: {  	s0 =	simm.s32 @!p0 $0x2  }
0xb2: {  	_ =	swait.ge @!p0 [sflag:s0], s1  }
0xb3: {  	s1 =	ssub.s32 @!p0 $0x0, s1;
	[sflag:s0] =	ssyncset.done @!p0 $0x0  }
0xb4: {  	[sflag:s0] =	ssyncadd.s32 @!p0 s1  }
0xb5: {  	[bflag:$0x3] =	sbarrier.arrive $0xFFFF  }
0xb6: {  	_ =	shalt  }

</sc_bundles>
